<compile_context>
chip_gen: v7x
topology: tpu7x:2x2x1
jax: 0.10.2.dev20260603
libtpu: 0.0.44.dev20260713+nightly
codegen_flags: <defaults>
</compile_context>

<pallas_src>
import jax
import jax.numpy as jnp
from jax.experimental import pallas as pl
from jax.experimental.pallas import tpu as pltpu

EPS = 1e-5
_G = 4
_S = 5


def _tree_max(parts):
    while len(parts) > 1:
        odd = parts[len(parts) - len(parts) % 2:]
        parts = [jnp.maximum(parts[i], parts[i + 1])
                 for i in range(0, len(parts) - 1, 2)] + odd
    return parts[0]


def _encoder_kernel(x_ref, m_ref, w0_ref, b0_ref, w1a_ref, w1b_ref, b1_ref,
                    w2_ref, b2_ref, w3_ref, b3_ref, w4_ref, b4_ref,
                    out_ref, f_scr, g_scr):
    S, blk, CK = x_ref.shape
    H = w1a_ref.shape[1]
    P = _G * S
    m2d = m_ref[...].astype(jnp.bfloat16)
    x2 = x_ref[...].reshape(S * blk, CK).astype(jnp.bfloat16)
    b0 = b0_ref[...]
    for j in range(_G):
        fj = jnp.dot(x2, w0_ref[pl.ds(j * CK, CK), :],
                     preferred_element_type=jnp.float32)
        f_scr[pl.ds(j * S * blk, S * blk), :] = (
            jnp.maximum((fj + b0).astype(jnp.bfloat16), 0))
    g_scr[...] = jnp.dot(f_scr[...], w1a_ref[...],
                         preferred_element_type=jnp.float32).astype(jnp.bfloat16)
    pcol = lambda s: 4 * (s % _S) + s // _S
    pooled = _tree_max([f_scr[pl.ds(s * blk, blk), :]
                        * m2d[:, pcol(s):pcol(s) + 1] for s in range(P)])
    pw = jnp.dot(pooled, w1b_ref[...], preferred_element_type=jnp.float32)
    pwb = (pw + b1_ref[...]).astype(jnp.bfloat16)
    g3 = g_scr[...].reshape(P, blk, H)
    h = jnp.maximum(g3 + pwb[None, :, :], 0)
    h2 = jnp.dot(h.reshape(P * blk, H), w2_ref[...],
                 preferred_element_type=jnp.float32)
    h2b = jnp.maximum(h2.astype(jnp.bfloat16) + b2_ref[...].astype(jnp.bfloat16), 0)
    h3 = h2b.reshape(P, blk, H)
    buf = _tree_max([h3[s] * m2d[:, pcol(s):pcol(s) + 1] for s in range(P)])
    o = jnp.dot(buf.astype(jnp.float32), w3_ref[...],
                preferred_element_type=jnp.float32)
    o = jnp.maximum(o + b3_ref[...], 0.0)
    o = jnp.dot(o, w4_ref[...], preferred_element_type=jnp.float32)
    o = o + b4_ref[...]
    valid = jnp.max(m_ref[...], axis=1, keepdims=True)
    out_ref[...] = o * valid


def kernel(polylines, polylines_mask, W0, g0, b0, W1, g1, b1, W2, g2, b2,
           W3, b3, W4, b4):
    N, P, C = polylines.shape
    H = W0.shape[1]
    O = W4.shape[1]
    s = 1.0 / jnp.sqrt(jnp.float32(1.0) + EPS)
    W0s = W0 * (g0 * s)[None, :]
    W1s = W1 * (g1 * s)[None, :]
    W1a, W1b = W1s[:H], W1s[H:]
    W2s = W2 * (g2 * s)[None, :]

    CK = _G * C
    w0_stack = jnp.zeros((_G, CK, H), jnp.float32)
    for j in range(_G):
        w0_stack = w0_stack.at[j, j * C:(j + 1) * C, :].set(W0s)
    w0_stack = w0_stack.reshape(_G * CK, H)

    mf = polylines_mask.astype(jnp.float32)
    xq = polylines.reshape(N, _S, CK).transpose(1, 0, 2)

    blk = 512
    grid = (N // blk,)
    full = lambda shape: pl.BlockSpec(shape, lambda i: (0,) * len(shape))

    return pl.pallas_call(
        _encoder_kernel,
        grid=grid,
        in_specs=[
            pl.BlockSpec((_S, blk, CK), lambda i: (0, i, 0)),
            pl.BlockSpec((blk, P), lambda i: (i, 0)),
            full((_G * CK, H)),
            full((1, H)),
            full((H, H)),
            full((H, H)),
            full((1, H)),
            full((H, H)),
            full((1, H)),
            full((H, H)),
            full((1, H)),
            full((H, O)),
            full((1, O)),
        ],
        out_specs=pl.BlockSpec((blk, O), lambda i: (i, 0)),
        out_shape=jax.ShapeDtypeStruct((N, O), jnp.float32),
        scratch_shapes=[pltpu.VMEM((P * blk, H), jnp.bfloat16),
                        pltpu.VMEM((P * blk, H), jnp.bfloat16)],
        compiler_params=pltpu.CompilerParams(
            dimension_semantics=("parallel",),
        ),
    )(xq, mf, w0_stack.astype(jnp.bfloat16), b0.reshape(1, H),
      W1a.astype(jnp.bfloat16), W1b.astype(jnp.bfloat16), b1.reshape(1, H),
      W2s.astype(jnp.bfloat16), b2.reshape(1, H),
      W3, b3.reshape(1, H), W4, b4.reshape(1, O))

# --- scband reference (transcript-rebuilt; emitter-appended) ---
"""Pipeline reference for scband-point-net-polyline-encoder-42004780155410 (READ-ONLY COPY).

The authoritative reference and input builder live on the scoring server;
editing this copy changes nothing except your own understanding.
"""

import jax, jax.numpy as jnp
import numpy as np

EPS = 1e-5

def bn_eval(x, g, b):
    # BatchNorm1d in eval mode with running_mean=0, running_var=1
    return x / jnp.sqrt(1.0 + EPS) * g + b

def setup_inputs(seed: int = 0):
    key = jax.random.key(seed)
    ks = jax.random.split(key, 8)
    N, P, C = 16384, 20, 32
    H = 256
    O = 256
    def lin_init(k, fan_in, shape):
        bound = 1.0 / np.sqrt(fan_in)
        return jax.random.uniform(k, shape, dtype=jnp.float32, minval=-bound, maxval=bound)
    inp = {}
    inp['polylines'] = jax.random.normal(ks[0], (N, P, C), dtype=jnp.float32)
    inp['polylines_mask'] = jax.random.randint(ks[1], (N, P), 0, 2) > 0
    # pre_mlps: Linear(C->H, no bias) + BN + ReLU
    inp['W0'] = lin_init(ks[2], C, (C, H))
    inp['g0'] = jnp.ones((H,), jnp.float32)
    inp['b0'] = jnp.zeros((H,), jnp.float32)
    # mlps: 2 layers of Linear(no bias) + BN + ReLU, first takes 2H
    inp['W1'] = lin_init(ks[3], 2 * H, (2 * H, H))
    inp['g1'] = jnp.ones((H,), jnp.float32)
    inp['b1'] = jnp.zeros((H,), jnp.float32)
    inp['W2'] = lin_init(ks[4], H, (H, H))
    inp['g2'] = jnp.ones((H,), jnp.float32)
    inp['b2'] = jnp.zeros((H,), jnp.float32)
    # out_mlps: Linear(H->H, bias) + ReLU, Linear(H->O, bias) ret_before_act
    inp['W3'] = lin_init(ks[5], H, (H, H))
    inp['b3'] = jnp.zeros((H,), jnp.float32)
    inp['W4'] = lin_init(ks[6], H, (H, O))
    inp['b4'] = jnp.zeros((O,), jnp.float32)
    return inp

def reference(polylines, polylines_mask, W0, g0, b0, W1, g1, b1, W2, g2, b2, W3, b3, W4, b4):
    N, P, C = polylines.shape
    m = polylines_mask[..., None].astype(polylines.dtype)
    # pre_mlps on valid points (equivalent: compute everywhere, zero invalid)
    feat = jax.nn.relu(bn_eval(polylines @ W0, g0, b0)) * m
    pooled = feat.max(axis=1)
    feat2 = jnp.concatenate([feat, jnp.repeat(pooled[:, None, :], P, axis=1)], axis=-1)
    h = jax.nn.relu(bn_eval(feat2 @ W1, g1, b1)) * m
    h = jax.nn.relu(bn_eval(h @ W2, g2, b2)) * m
    buf = h.max(axis=1)
    valid = (polylines_mask.sum(axis=-1) > 0)
    out = jax.nn.relu(buf @ W3 + b3)
    out = out @ W4 + b4
    out = out * valid[:, None].astype(out.dtype)
    return out

if __name__ == "__main__":
    import jax
    _d = setup_inputs()
    print(jax.jit(kernel)(*tuple(_d.values())))

</pallas_src>

<mosaic_0001>
module attributes {stable_mosaic.version = 14 : i64} {
  func.func @_encoder_kernel(%arg0: i32, %arg1: memref<5x512x128xf32, #tpu.memory_space<vmem>>, %arg2: memref<512x20xf32, #tpu.memory_space<vmem>>, %arg3: memref<512x256xbf16, #tpu.memory_space<vmem>>, %arg4: memref<1x256xf32, #tpu.memory_space<vmem>>, %arg5: memref<256x256xbf16, #tpu.memory_space<vmem>>, %arg6: memref<256x256xbf16, #tpu.memory_space<vmem>>, %arg7: memref<1x256xf32, #tpu.memory_space<vmem>>, %arg8: memref<256x256xbf16, #tpu.memory_space<vmem>>, %arg9: memref<1x256xf32, #tpu.memory_space<vmem>>, %arg10: memref<256x256xf32, #tpu.memory_space<vmem>>, %arg11: memref<1x256xf32, #tpu.memory_space<vmem>>, %arg12: memref<256x256xf32, #tpu.memory_space<vmem>>, %arg13: memref<1x256xf32, #tpu.memory_space<vmem>>, %arg14: memref<512x256xf32, #tpu.memory_space<vmem>>, %arg15: memref<10240x256xbf16, #tpu.memory_space<vmem>>, %arg16: memref<10240x256xbf16, #tpu.memory_space<vmem>>) attributes {dimension_semantics = [#tpu.dimension_semantics<parallel>], iteration_bounds = array<i64: 32>, scalar_prefetch = 0 : i64, scratch_operands = 2 : i64, tpu.core_type = #tpu.core_type<tc>, window_params = [{transform_indices = @transform_0, window_bounds = array<i64: 5, 512, 128>}, {transform_indices = @transform_1, window_bounds = array<i64: 512, 20>}, {pipeline_mode = #tpu.pipeline_mode<synchronous>, transform_indices = @transform_2, window_bounds = array<i64: 512, 256>}, {pipeline_mode = #tpu.pipeline_mode<synchronous>, transform_indices = @transform_3, window_bounds = array<i64: 1, 256>}, {pipeline_mode = #tpu.pipeline_mode<synchronous>, transform_indices = @transform_4, window_bounds = array<i64: 256, 256>}, {pipeline_mode = #tpu.pipeline_mode<synchronous>, transform_indices = @transform_5, window_bounds = array<i64: 256, 256>}, {pipeline_mode = #tpu.pipeline_mode<synchronous>, transform_indices = @transform_6, window_bounds = array<i64: 1, 256>}, {pipeline_mode = #tpu.pipeline_mode<synchronous>, transform_indices = @transform_7, window_bounds = array<i64: 256, 256>}, {pipeline_mode = #tpu.pipeline_mode<synchronous>, transform_indices = @transform_8, window_bounds = array<i64: 1, 256>}, {pipeline_mode = #tpu.pipeline_mode<synchronous>, transform_indices = @transform_9, window_bounds = array<i64: 256, 256>}, {pipeline_mode = #tpu.pipeline_mode<synchronous>, transform_indices = @transform_10, window_bounds = array<i64: 1, 256>}, {pipeline_mode = #tpu.pipeline_mode<synchronous>, transform_indices = @transform_11, window_bounds = array<i64: 256, 256>}, {pipeline_mode = #tpu.pipeline_mode<synchronous>, transform_indices = @transform_12, window_bounds = array<i64: 1, 256>}, {transform_indices = @transform_13, window_bounds = array<i64: 512, 256>}]} {
    %get3A = arith.constant 0 : index
    %get3A_0 = arith.constant 0 : index
    %get3A_1 = vector.load %arg2[%get3A, %get3A_0] : memref<512x20xf32, #tpu.memory_space<vmem>>, vector<512x20xf32>
    %convert_element_type3A = arith.truncf %get3A_1 : vector<512x20xf32> to vector<512x20xbf16>
    %get3A_2 = arith.constant 0 : index
    %get3A_3 = arith.constant 0 : index
    %get3A_4 = arith.constant 0 : index
    %get3A_5 = vector.load %arg1[%get3A_2, %get3A_3, %get3A_4] : memref<5x512x128xf32, #tpu.memory_space<vmem>>, vector<5x512x128xf32>
    %reshape3A = vector.shape_cast %get3A_5 : vector<5x512x128xf32> to vector<2560x128xf32>
    %convert_element_type3A_6 = arith.truncf %reshape3A : vector<2560x128xf32> to vector<2560x128xbf16>
    %get3A_7 = arith.constant 0 : index
    %get3A_8 = arith.constant 0 : index
    %get3A_9 = vector.load %arg4[%get3A_7, %get3A_8] : memref<1x256xf32, #tpu.memory_space<vmem>>, vector<1x256xf32>
    %get3A_10 = arith.constant 0 : index
    %get3A_11 = arith.constant 0 : index
    %get3A_12 = vector.load %arg3[%get3A_10, %get3A_11] : memref<512x256xbf16, #tpu.memory_space<vmem>>, vector<128x256xbf16>
    %dot_general3A = arith.constant dense<0.000000e+00> : vector<2560x256xf32>
    %dot_general3A_13 = tpu.matmul %convert_element_type3A_6, %get3A_12, %dot_general3A {dimension_numbers = #tpu.dot_dimension_numbers<[1], [0], [0], [1], [0, 0, 1, 1], [], []>, transpose_lhs_hint = false} : vector<2560x128xbf16>, vector<128x256xbf16>, vector<2560x256xf32> -> vector<2560x256xf32>
    %add3A = vector.broadcast %get3A_9 : vector<1x256xf32> to vector<2560x256xf32>
    %add3A_14 = arith.addf %dot_general3A_13, %add3A : vector<2560x256xf32>
    %convert_element_type3A_15 = arith.truncf %add3A_14 : vector<2560x256xf32> to vector<2560x256xbf16>
    %max3A = arith.constant 0.000000e+00 : bf16
    %max3A_16 = vector.broadcast %max3A : bf16 to vector<2560x256xbf16>
    %max3A_17 = arith.maximumf %convert_element_type3A_15, %max3A_16 : vector<2560x256xbf16>
    %swap3A = arith.constant 0 : index
    %swap3A_18 = arith.constant 0 : index
    %swap3A_19 = vector.load %arg15[%swap3A, %swap3A_18] : memref<10240x256xbf16, #tpu.memory_space<vmem>>, vector<2560x256xbf16>
    tpu.vector_store %arg15[%swap3A, %swap3A_18], %max3A_17 {strides = array<i32>} : memref<10240x256xbf16, #tpu.memory_space<vmem>>, vector<2560x256xbf16>,
    %get3A_20 = arith.constant 128 : index
    %get3A_21 = arith.constant 0 : index
    %get3A_22 = vector.load %arg3[%get3A_20, %get3A_21] : memref<512x256xbf16, #tpu.memory_space<vmem>>, vector<128x256xbf16>
    %dot_general3A_23 = arith.constant dense<0.000000e+00> : vector<2560x256xf32>
    %dot_general3A_24 = tpu.matmul %convert_element_type3A_6, %get3A_22, %dot_general3A_23 {dimension_numbers = #tpu.dot_dimension_numbers<[1], [0], [0], [1], [0, 0, 1, 1], [], []>, transpose_lhs_hint = false} : vector<2560x128xbf16>, vector<128x256xbf16>, vector<2560x256xf32> -> vector<2560x256xf32>
    %add3A_25 = vector.broadcast %get3A_9 : vector<1x256xf32> to vector<2560x256xf32>
    %add3A_26 = arith.addf %dot_general3A_24, %add3A_25 : vector<2560x256xf32>
    %convert_element_type3A_27 = arith.truncf %add3A_26 : vector<2560x256xf32> to vector<2560x256xbf16>
    %max3A_28 = arith.constant 0.000000e+00 : bf16
    %max3A_29 = vector.broadcast %max3A_28 : bf16 to vector<2560x256xbf16>
    %max3A_30 = arith.maximumf %convert_element_type3A_27, %max3A_29 : vector<2560x256xbf16>
    %swap3A_31 = arith.constant 2560 : index
    %swap3A_32 = arith.constant 0 : index
    %swap3A_33 = vector.load %arg15[%swap3A_31, %swap3A_32] : memref<10240x256xbf16, #tpu.memory_space<vmem>>, vector<2560x256xbf16>
    tpu.vector_store %arg15[%swap3A_31, %swap3A_32], %max3A_30 {strides = array<i32>} : memref<10240x256xbf16, #tpu.memory_space<vmem>>, vector<2560x256xbf16>,
    %get3A_34 = arith.constant 256 : index
    %get3A_35 = arith.constant 0 : index
    %get3A_36 = vector.load %arg3[%get3A_34, %get3A_35] : memref<512x256xbf16, #tpu.memory_space<vmem>>, vector<128x256xbf16>
    %dot_general3A_37 = arith.constant dense<0.000000e+00> : vector<2560x256xf32>
    %dot_general3A_38 = tpu.matmul %convert_element_type3A_6, %get3A_36, %dot_general3A_37 {dimension_numbers = #tpu.dot_dimension_numbers<[1], [0], [0], [1], [0, 0, 1, 1], [], []>, transpose_lhs_hint = false} : vector<2560x128xbf16>, vector<128x256xbf16>, vector<2560x256xf32> -> vector<2560x256xf32>
    %add3A_39 = vector.broadcast %get3A_9 : vector<1x256xf32> to vector<2560x256xf32>
    %add3A_40 = arith.addf %dot_general3A_38, %add3A_39 : vector<2560x256xf32>
    %convert_element_type3A_41 = arith.truncf %add3A_40 : vector<2560x256xf32> to vector<2560x256xbf16>
    %max3A_42 = arith.constant 0.000000e+00 : bf16
    %max3A_43 = vector.broadcast %max3A_42 : bf16 to vector<2560x256xbf16>
    %max3A_44 = arith.maximumf %convert_element_type3A_41, %max3A_43 : vector<2560x256xbf16>
    %swap3A_45 = arith.constant 5120 : index
    %swap3A_46 = arith.constant 0 : index
    %swap3A_47 = vector.load %arg15[%swap3A_45, %swap3A_46] : memref<10240x256xbf16, #tpu.memory_space<vmem>>, vector<2560x256xbf16>
    tpu.vector_store %arg15[%swap3A_45, %swap3A_46], %max3A_44 {strides = array<i32>} : memref<10240x256xbf16, #tpu.memory_space<vmem>>, vector<2560x256xbf16>,
    %get3A_48 = arith.constant 384 : index
    %get3A_49 = arith.constant 0 : index
    %get3A_50 = vector.load %arg3[%get3A_48, %get3A_49] : memref<512x256xbf16, #tpu.memory_space<vmem>>, vector<128x256xbf16>
    %dot_general3A_51 = arith.constant dense<0.000000e+00> : vector<2560x256xf32>
    %dot_general3A_52 = tpu.matmul %convert_element_type3A_6, %get3A_50, %dot_general3A_51 {dimension_numbers = #tpu.dot_dimension_numbers<[1], [0], [0], [1], [0, 0, 1, 1], [], []>, transpose_lhs_hint = false} : vector<2560x128xbf16>, vector<128x256xbf16>, vector<2560x256xf32> -> vector<2560x256xf32>
    %add3A_53 = vector.broadcast %get3A_9 : vector<1x256xf32> to vector<2560x256xf32>
    %add3A_54 = arith.addf %dot_general3A_52, %add3A_53 : vector<2560x256xf32>
    %convert_element_type3A_55 = arith.truncf %add3A_54 : vector<2560x256xf32> to vector<2560x256xbf16>
    %max3A_56 = arith.constant 0.000000e+00 : bf16
    %max3A_57 = vector.broadcast %max3A_56 : bf16 to vector<2560x256xbf16>
    %max3A_58 = arith.maximumf %convert_element_type3A_55, %max3A_57 : vector<2560x256xbf16>
    %swap3A_59 = arith.constant 7680 : index
    %swap3A_60 = arith.constant 0 : index
    %swap3A_61 = vector.load %arg15[%swap3A_59, %swap3A_60] : memref<10240x256xbf16, #tpu.memory_space<vmem>>, vector<2560x256xbf16>
    tpu.vector_store %arg15[%swap3A_59, %swap3A_60], %max3A_58 {strides = array<i32>} : memref<10240x256xbf16, #tpu.memory_space<vmem>>, vector<2560x256xbf16>,
    %get3A_62 = arith.constant 0 : index
    %get3A_63 = arith.constant 0 : index
    %get3A_64 = vector.load %arg15[%get3A_62, %get3A_63] : memref<10240x256xbf16, #tpu.memory_space<vmem>>, vector<10240x256xbf16>
    %get3A_65 = arith.constant 0 : index
    %get3A_66 = arith.constant 0 : index
    %get3A_67 = vector.load %arg5[%get3A_65, %get3A_66] : memref<256x256xbf16, #tpu.memory_space<vmem>>, vector<256x256xbf16>
    %dot_general3A_68 = arith.constant dense<0.000000e+00> : vector<10240x256xf32>
    %dot_general3A_69 = tpu.matmul %get3A_64, %get3A_67, %dot_general3A_68 {dimension_numbers = #tpu.dot_dimension_numbers<[1], [0], [0], [1], [0, 0, 1, 1], [], []>, transpose_lhs_hint = false} : vector<10240x256xbf16>, vector<256x256xbf16>, vector<10240x256xf32> -> vector<10240x256xf32>
    %convert_element_type3A_70 = arith.truncf %dot_general3A_69 : vector<10240x256xf32> to vector<10240x256xbf16>
    %swap3A_71 = arith.constant 0 : index
    %swap3A_72 = arith.constant 0 : index
    %swap3A_73 = vector.load %arg16[%swap3A_71, %swap3A_72] : memref<10240x256xbf16, #tpu.memory_space<vmem>>, vector<10240x256xbf16>
    tpu.vector_store %arg16[%swap3A_71, %swap3A_72], %convert_element_type3A_70 {strides = array<i32>} : memref<10240x256xbf16, #tpu.memory_space<vmem>>, vector<10240x256xbf16>,
    %get3A_74 = arith.constant 0 : index
    %get3A_75 = arith.constant 0 : index
    %get3A_76 = vector.load %arg15[%get3A_74, %get3A_75] : memref<10240x256xbf16, #tpu.memory_space<vmem>>, vector<512x256xbf16>
    %slice3A = vector.extract_strided_slice %convert_element_type3A {offsets = [0, 0], sizes = [512, 1], strides = [1, 1]} : vector<512x20xbf16> to vector<512x1xbf16>
    %mul3A = vector.broadcast %slice3A : vector<512x1xbf16> to vector<512x256xbf16>
    %mul3A_77 = arith.mulf %get3A_76, %mul3A : vector<512x256xbf16>
    %get3A_78 = arith.constant 512 : index
    %get3A_79 = arith.constant 0 : index
    %get3A_80 = vector.load %arg15[%get3A_78, %get3A_79] : memref<10240x256xbf16, #tpu.memory_space<vmem>>, vector<512x256xbf16>
    %slice3A_81 = vector.extract_strided_slice %convert_element_type3A {offsets = [0, 4], sizes = [512, 1], strides = [1, 1]} : vector<512x20xbf16> to vector<512x1xbf16>
    %mul3A_82 = vector.broadcast %slice3A_81 : vector<512x1xbf16> to vector<512x256xbf16>
    %mul3A_83 = arith.mulf %get3A_80, %mul3A_82 : vector<512x256xbf16>
    %get3A_84 = arith.constant 1024 : index
    %get3A_85 = arith.constant 0 : index
    %get3A_86 = vector.load %arg15[%get3A_84, %get3A_85] : memref<10240x256xbf16, #tpu.memory_space<vmem>>, vector<512x256xbf16>
    %slice3A_87 = vector.extract_strided_slice %convert_element_type3A {offsets = [0, 8], sizes = [512, 1], strides = [1, 1]} : vector<512x20xbf16> to vector<512x1xbf16>
    %mul3A_88 = vector.broadcast %slice3A_87 : vector<512x1xbf16> to vector<512x256xbf16>
    %mul3A_89 = arith.mulf %get3A_86, %mul3A_88 : vector<512x256xbf16>
    %get3A_90 = arith.constant 1536 : index
    %get3A_91 = arith.constant 0 : index
    %get3A_92 = vector.load %arg15[%get3A_90, %get3A_91] : memref<10240x256xbf16, #tpu.memory_space<vmem>>, vector<512x256xbf16>
    %slice3A_93 = vector.extract_strided_slice %convert_element_type3A {offsets = [0, 12], sizes = [512, 1], strides = [1, 1]} : vector<512x20xbf16> to vector<512x1xbf16>
    %mul3A_94 = vector.broadcast %slice3A_93 : vector<512x1xbf16> to vector<512x256xbf16>
    %mul3A_95 = arith.mulf %get3A_92, %mul3A_94 : vector<512x256xbf16>
    %get3A_96 = arith.constant 2048 : index
    %get3A_97 = arith.constant 0 : index
    %get3A_98 = vector.load %arg15[%get3A_96, %get3A_97] : memref<10240x256xbf16, #tpu.memory_space<vmem>>, vector<512x256xbf16>
    %slice3A_99 = vector.extract_strided_slice %convert_element_type3A {offsets = [0, 16], sizes = [512, 1], strides = [1, 1]} : vector<512x20xbf16> to vector<512x1xbf16>
    %mul3A_100 = vector.broadcast %slice3A_99 : vector<512x1xbf16> to vector<512x256xbf16>
    %mul3A_101 = arith.mulf %get3A_98, %mul3A_100 : vector<512x256xbf16>
    %get3A_102 = arith.constant 2560 : index
    %get3A_103 = arith.constant 0 : index
    %get3A_104 = vector.load %arg15[%get3A_102, %get3A_103] : memref<10240x256xbf16, #tpu.memory_space<vmem>>, vector<512x256xbf16>
    %slice3A_105 = vector.extract_strided_slice %convert_element_type3A {offsets = [0, 1], sizes = [512, 1], strides = [1, 1]} : vector<512x20xbf16> to vector<512x1xbf16>
    %mul3A_106 = vector.broadcast %slice3A_105 : vector<512x1xbf16> to vector<512x256xbf16>
    %mul3A_107 = arith.mulf %get3A_104, %mul3A_106 : vector<512x256xbf16>
    %get3A_108 = arith.constant 3072 : index
    %get3A_109 = arith.constant 0 : index
    %get3A_110 = vector.load %arg15[%get3A_108, %get3A_109] : memref<10240x256xbf16, #tpu.memory_space<vmem>>, vector<512x256xbf16>
    %slice3A_111 = vector.extract_strided_slice %convert_element_type3A {offsets = [0, 5], sizes = [512, 1], strides = [1, 1]} : vector<512x20xbf16> to vector<512x1xbf16>
    %mul3A_112 = vector.broadcast %slice3A_111 : vector<512x1xbf16> to vector<512x256xbf16>
    %mul3A_113 = arith.mulf %get3A_110, %mul3A_112 : vector<512x256xbf16>
    %get3A_114 = arith.constant 3584 : index
    %get3A_115 = arith.constant 0 : index
    %get3A_116 = vector.load %arg15[%get3A_114, %get3A_115] : memref<10240x256xbf16, #tpu.memory_space<vmem>>, vector<512x256xbf16>
    %slice3A_117 = vector.extract_strided_slice %convert_element_type3A {offsets = [0, 9], sizes = [512, 1], strides = [1, 1]} : vector<512x20xbf16> to vector<512x1xbf16>
    %mul3A_118 = vector.broadcast %slice3A_117 : vector<512x1xbf16> to vector<512x256xbf16>
    %mul3A_119 = arith.mulf %get3A_116, %mul3A_118 : vector<512x256xbf16>
    %get3A_120 = arith.constant 4096 : index
    %get3A_121 = arith.constant 0 : index
    %get3A_122 = vector.load %arg15[%get3A_120, %get3A_121] : memref<10240x256xbf16, #tpu.memory_space<vmem>>, vector<512x256xbf16>
    %slice3A_123 = vector.extract_strided_slice %convert_element_type3A {offsets = [0, 13], sizes = [512, 1], strides = [1, 1]} : vector<512x20xbf16> to vector<512x1xbf16>
    %mul3A_124 = vector.broadcast %slice3A_123 : vector<512x1xbf16> to vector<512x256xbf16>
    %mul3A_125 = arith.mulf %get3A_122, %mul3A_124 : vector<512x256xbf16>
    %get3A_126 = arith.constant 4608 : index
    %get3A_127 = arith.constant 0 : index
    %get3A_128 = vector.load %arg15[%get3A_126, %get3A_127] : memref<10240x256xbf16, #tpu.memory_space<vmem>>, vector<512x256xbf16>
    %slice3A_129 = vector.extract_strided_slice %convert_element_type3A {offsets = [0, 17], sizes = [512, 1], strides = [1, 1]} : vector<512x20xbf16> to vector<512x1xbf16>
    %mul3A_130 = vector.broadcast %slice3A_129 : vector<512x1xbf16> to vector<512x256xbf16>
    %mul3A_131 = arith.mulf %get3A_128, %mul3A_130 : vector<512x256xbf16>
    %get3A_132 = arith.constant 5120 : index
    %get3A_133 = arith.constant 0 : index
    %get3A_134 = vector.load %arg15[%get3A_132, %get3A_133] : memref<10240x256xbf16, #tpu.memory_space<vmem>>, vector<512x256xbf16>
    %slice3A_135 = vector.extract_strided_slice %convert_element_type3A {offsets = [0, 2], sizes = [512, 1], strides = [1, 1]} : vector<512x20xbf16> to vector<512x1xbf16>
    %mul3A_136 = vector.broadcast %slice3A_135 : vector<512x1xbf16> to vector<512x256xbf16>
    %mul3A_137 = arith.mulf %get3A_134, %mul3A_136 : vector<512x256xbf16>
    %get3A_138 = arith.constant 5632 : index
    %get3A_139 = arith.constant 0 : index
    %get3A_140 = vector.load %arg15[%get3A_138, %get3A_139] : memref<10240x256xbf16, #tpu.memory_space<vmem>>, vector<512x256xbf16>
    %slice3A_141 = vector.extract_strided_slice %convert_element_type3A {offsets = [0, 6], sizes = [512, 1], strides = [1, 1]} : vector<512x20xbf16> to vector<512x1xbf16>
    %mul3A_142 = vector.broadcast %slice3A_141 : vector<512x1xbf16> to vector<512x256xbf16>
    %mul3A_143 = arith.mulf %get3A_140, %mul3A_142 : vector<512x256xbf16>
    %get3A_144 = arith.constant 6144 : index
    %get3A_145 = arith.constant 0 : index
    %get3A_146 = vector.load %arg15[%get3A_144, %get3A_145] : memref<10240x256xbf16, #tpu.memory_space<vmem>>, vector<512x256xbf16>
    %slice3A_147 = vector.extract_strided_slice %convert_element_type3A {offsets = [0, 10], sizes = [512, 1], strides = [1, 1]} : vector<512x20xbf16> to vector<512x1xbf16>
    %mul3A_148 = vector.broadcast %slice3A_147 : vector<512x1xbf16> to vector<512x256xbf16>
    %mul3A_149 = arith.mulf %get3A_146, %mul3A_148 : vector<512x256xbf16>
    %get3A_150 = arith.constant 6656 : index
    %get3A_151 = arith.constant 0 : index
    %get3A_152 = vector.load %arg15[%get3A_150, %get3A_151] : memref<10240x256xbf16, #tpu.memory_space<vmem>>, vector<512x256xbf16>
    %slice3A_153 = vector.extract_strided_slice %convert_element_type3A {offsets = [0, 14], sizes = [512, 1], strides = [1, 1]} : vector<512x20xbf16> to vector<512x1xbf16>
    %mul3A_154 = vector.broadcast %slice3A_153 : vector<512x1xbf16> to vector<512x256xbf16>
    %mul3A_155 = arith.mulf %get3A_152, %mul3A_154 : vector<512x256xbf16>
    %get3A_156 = arith.constant 7168 : index
    %get3A_157 = arith.constant 0 : index
    %get3A_158 = vector.load %arg15[%get3A_156, %get3A_157] : memref<10240x256xbf16, #tpu.memory_space<vmem>>, vector<512x256xbf16>
    %slice3A_159 = vector.extract_strided_slice %convert_element_type3A {offsets = [0, 18], sizes = [512, 1], strides = [1, 1]} : vector<512x20xbf16> to vector<512x1xbf16>
    %mul3A_160 = vector.broadcast %slice3A_159 : vector<512x1xbf16> to vector<512x256xbf16>
    %mul3A_161 = arith.mulf %get3A_158, %mul3A_160 : vector<512x256xbf16>
    %get3A_162 = arith.constant 7680 : index
    %get3A_163 = arith.constant 0 : index
    %get3A_164 = vector.load %arg15[%get3A_162, %get3A_163] : memref<10240x256xbf16, #tpu.memory_space<vmem>>, vector<512x256xbf16>
    %slice3A_165 = vector.extract_strided_slice %convert_element_type3A {offsets = [0, 3], sizes = [512, 1], strides = [1, 1]} : vector<512x20xbf16> to vector<512x1xbf16>
    %mul3A_166 = vector.broadcast %slice3A_165 : vector<512x1xbf16> to vector<512x256xbf16>
    %mul3A_167 = arith.mulf %get3A_164, %mul3A_166 : vector<512x256xbf16>
    %get3A_168 = arith.constant 8192 : index
    %get3A_169 = arith.constant 0 : index
    %get3A_170 = vector.load %arg15[%get3A_168, %get3A_169] : memref<10240x256xbf16, #tpu.memory_space<vmem>>, vector<512x256xbf16>
    %slice3A_171 = vector.extract_strided_slice %convert_element_type3A {offsets = [0, 7], sizes = [512, 1], strides = [1, 1]} : vector<512x20xbf16> to vector<512x1xbf16>
    %mul3A_172 = vector.broadcast %slice3A_171 : vector<512x1xbf16> to vector<512x256xbf16>
    %mul3A_173 = arith.mulf %get3A_170, %mul3A_172 : vector<512x256xbf16>
    %get3A_174 = arith.constant 8704 : index
    %get3A_175 = arith.constant 0 : index
    %get3A_176 = vector.load %arg15[%get3A_174, %get3A_175] : memref<10240x256xbf16, #tpu.memory_space<vmem>>, vector<512x256xbf16>
    %slice3A_177 = vector.extract_strided_slice %convert_element_type3A {offsets = [0, 11], sizes = [512, 1], strides = [1, 1]} : vector<512x20xbf16> to vector<512x1xbf16>
    %mul3A_178 = vector.broadcast %slice3A_177 : vector<512x1xbf16> to vector<512x256xbf16>
    %mul3A_179 = arith.mulf %get3A_176, %mul3A_178 : vector<512x256xbf16>
    %get3A_180 = arith.constant 9216 : index
    %get3A_181 = arith.constant 0 : index
    %get3A_182 = vector.load %arg15[%get3A_180, %get3A_181] : memref<10240x256xbf16, #tpu.memory_space<vmem>>, vector<512x256xbf16>
    %slice3A_183 = vector.extract_strided_slice %convert_element_type3A {offsets = [0, 15], sizes = [512, 1], strides = [1, 1]} : vector<512x20xbf16> to vector<512x1xbf16>
    %mul3A_184 = vector.broadcast %slice3A_183 : vector<512x1xbf16> to vector<512x256xbf16>
    %mul3A_185 = arith.mulf %get3A_182, %mul3A_184 : vector<512x256xbf16>
    %get3A_186 = arith.constant 9728 : index
    %get3A_187 = arith.constant 0 : index
    %get3A_188 = vector.load %arg15[%get3A_186, %get3A_187] : memref<10240x256xbf16, #tpu.memory_space<vmem>>, vector<512x256xbf16>
    %slice3A_189 = vector.extract_strided_slice %convert_element_type3A {offsets = [0, 19], sizes = [512, 1], strides = [1, 1]} : vector<512x20xbf16> to vector<512x1xbf16>
    %mul3A_190 = vector.broadcast %slice3A_189 : vector<512x1xbf16> to vector<512x256xbf16>
    %mul3A_191 = arith.mulf %get3A_188, %mul3A_190 : vector<512x256xbf16>
    %max3A_192 = arith.maximumf %mul3A_77, %mul3A_83 : vector<512x256xbf16>
    %max3A_193 = arith.maximumf %mul3A_89, %mul3A_95 : vector<512x256xbf16>
    %max3A_194 = arith.maximumf %mul3A_101, %mul3A_107 : vector<512x256xbf16>
    %max3A_195 = arith.maximumf %mul3A_113, %mul3A_119 : vector<512x256xbf16>
    %max3A_196 = arith.maximumf %mul3A_125, %mul3A_131 : vector<512x256xbf16>
    %max3A_197 = arith.maximumf %mul3A_137, %mul3A_143 : vector<512x256xbf16>
    %max3A_198 = arith.maximumf %mul3A_149, %mul3A_155 : vector<512x256xbf16>
    %max3A_199 = arith.maximumf %mul3A_161, %mul3A_167 : vector<512x256xbf16>
    %max3A_200 = arith.maximumf %mul3A_173, %mul3A_179 : vector<512x256xbf16>
    %max3A_201 = arith.maximumf %mul3A_185, %mul3A_191 : vector<512x256xbf16>
    %max3A_202 = arith.maximumf %max3A_192, %max3A_193 : vector<512x256xbf16>
    %max3A_203 = arith.maximumf %max3A_194, %max3A_195 : vector<512x256xbf16>
    %max3A_204 = arith.maximumf %max3A_196, %max3A_197 : vector<512x256xbf16>
    %max3A_205 = arith.maximumf %max3A_198, %max3A_199 : vector<512x256xbf16>
    %max3A_206 = arith.maximumf %max3A_200, %max3A_201 : vector<512x256xbf16>
    %max3A_207 = arith.maximumf %max3A_202, %max3A_203 : vector<512x256xbf16>
    %max3A_208 = arith.maximumf %max3A_204, %max3A_205 : vector<512x256xbf16>
    %max3A_209 = arith.maximumf %max3A_207, %max3A_208 : vector<512x256xbf16>
    %max3A_210 = arith.maximumf %max3A_209, %max3A_206 : vector<512x256xbf16>
    %get3A_211 = arith.constant 0 : index
    %get3A_212 = arith.constant 0 : index
    %get3A_213 = vector.load %arg6[%get3A_211, %get3A_212] : memref<256x256xbf16, #tpu.memory_space<vmem>>, vector<256x256xbf16>
    %dot_general3A_214 = arith.constant dense<0.000000e+00> : vector<512x256xf32>
    %dot_general3A_215 = tpu.matmul %max3A_210, %get3A_213, %dot_general3A_214 {dimension_numbers = #tpu.dot_dimension_numbers<[1], [0], [0], [1], [0, 0, 1, 1], [], []>, transpose_lhs_hint = false} : vector<512x256xbf16>, vector<256x256xbf16>, vector<512x256xf32> -> vector<512x256xf32>
    %get3A_216 = arith.constant 0 : index
    %get3A_217 = arith.constant 0 : index
    %get3A_218 = vector.load %arg7[%get3A_216, %get3A_217] : memref<1x256xf32, #tpu.memory_space<vmem>>, vector<1x256xf32>
    %add3A_219 = vector.broadcast %get3A_218 : vector<1x256xf32> to vector<512x256xf32>
    %add3A_220 = arith.addf %dot_general3A_215, %add3A_219 : vector<512x256xf32>
    %convert_element_type3A_221 = arith.truncf %add3A_220 : vector<512x256xf32> to vector<512x256xbf16>
    %get3A_222 = arith.constant 0 : index
    %get3A_223 = arith.constant 0 : index
    %get3A_224 = vector.load %arg16[%get3A_222, %get3A_223] : memref<10240x256xbf16, #tpu.memory_space<vmem>>, vector<10240x256xbf16>
    %reshape3A_225 = vector.shape_cast %get3A_224 : vector<10240x256xbf16> to vector<20x512x256xbf16>
    %broadcast_in_dim3A = vector.shape_cast %convert_element_type3A_221 : vector<512x256xbf16> to vector<1x512x256xbf16>
    %add3A_226 = vector.broadcast %broadcast_in_dim3A : vector<1x512x256xbf16> to vector<20x512x256xbf16>
    %add3A_227 = arith.addf %reshape3A_225, %add3A_226 : vector<20x512x256xbf16>
    %max3A_228 = arith.constant 0.000000e+00 : bf16
    %max3A_229 = vector.broadcast %max3A_228 : bf16 to vector<20x512x256xbf16>
    %max3A_230 = arith.maximumf %add3A_227, %max3A_229 : vector<20x512x256xbf16>
    %reshape3A_231 = vector.shape_cast %max3A_230 : vector<20x512x256xbf16> to vector<10240x256xbf16>
    %get3A_232 = arith.constant 0 : index
    %get3A_233 = arith.constant 0 : index
    %get3A_234 = vector.load %arg8[%get3A_232, %get3A_233] : memref<256x256xbf16, #tpu.memory_space<vmem>>, vector<256x256xbf16>
    %dot_general3A_235 = arith.constant dense<0.000000e+00> : vector<10240x256xf32>
    %dot_general3A_236 = tpu.matmul %reshape3A_231, %get3A_234, %dot_general3A_235 {dimension_numbers = #tpu.dot_dimension_numbers<[1], [0], [0], [1], [0, 0, 1, 1], [], []>, transpose_lhs_hint = false} : vector<10240x256xbf16>, vector<256x256xbf16>, vector<10240x256xf32> -> vector<10240x256xf32>
    %convert_element_type3A_237 = arith.truncf %dot_general3A_236 : vector<10240x256xf32> to vector<10240x256xbf16>
    %get3A_238 = arith.constant 0 : index
    %get3A_239 = arith.constant 0 : index
    %get3A_240 = vector.load %arg9[%get3A_238, %get3A_239] : memref<1x256xf32, #tpu.memory_space<vmem>>, vector<1x256xf32>
    %convert_element_type3A_241 = arith.truncf %get3A_240 : vector<1x256xf32> to vector<1x256xbf16>
    %add3A_242 = vector.broadcast %convert_element_type3A_241 : vector<1x256xbf16> to vector<10240x256xbf16>
    %add3A_243 = arith.addf %convert_element_type3A_237, %add3A_242 : vector<10240x256xbf16>
    %max3A_244 = arith.constant 0.000000e+00 : bf16
    %max3A_245 = vector.broadcast %max3A_244 : bf16 to vector<10240x256xbf16>
    %max3A_246 = arith.maximumf %add3A_243, %max3A_245 : vector<10240x256xbf16>
    %reshape3A_247 = vector.shape_cast %max3A_246 : vector<10240x256xbf16> to vector<20x512x256xbf16>
    %slice3A_248 = vector.extract_strided_slice %reshape3A_247 {offsets = [0, 0, 0], sizes = [1, 512, 256], strides = [1, 1, 1]} : vector<20x512x256xbf16> to vector<1x512x256xbf16>
    %squeeze3A = vector.shape_cast %slice3A_248 : vector<1x512x256xbf16> to vector<512x256xbf16>
    %slice3A_249 = vector.extract_strided_slice %convert_element_type3A {offsets = [0, 0], sizes = [512, 1], strides = [1, 1]} : vector<512x20xbf16> to vector<512x1xbf16>
    %mul3A_250 = vector.broadcast %slice3A_249 : vector<512x1xbf16> to vector<512x256xbf16>
    %mul3A_251 = arith.mulf %squeeze3A, %mul3A_250 : vector<512x256xbf16>
    %slice3A_252 = vector.extract_strided_slice %reshape3A_247 {offsets = [1, 0, 0], sizes = [1, 512, 256], strides = [1, 1, 1]} : vector<20x512x256xbf16> to vector<1x512x256xbf16>
    %squeeze3A_253 = vector.shape_cast %slice3A_252 : vector<1x512x256xbf16> to vector<512x256xbf16>
    %slice3A_254 = vector.extract_strided_slice %convert_element_type3A {offsets = [0, 4], sizes = [512, 1], strides = [1, 1]} : vector<512x20xbf16> to vector<512x1xbf16>
    %mul3A_255 = vector.broadcast %slice3A_254 : vector<512x1xbf16> to vector<512x256xbf16>
    %mul3A_256 = arith.mulf %squeeze3A_253, %mul3A_255 : vector<512x256xbf16>
    %slice3A_257 = vector.extract_strided_slice %reshape3A_247 {offsets = [2, 0, 0], sizes = [1, 512, 256], strides = [1, 1, 1]} : vector<20x512x256xbf16> to vector<1x512x256xbf16>
    %squeeze3A_258 = vector.shape_cast %slice3A_257 : vector<1x512x256xbf16> to vector<512x256xbf16>
    %slice3A_259 = vector.extract_strided_slice %convert_element_type3A {offsets = [0, 8], sizes = [512, 1], strides = [1, 1]} : vector<512x20xbf16> to vector<512x1xbf16>
    %mul3A_260 = vector.broadcast %slice3A_259 : vector<512x1xbf16> to vector<512x256xbf16>
    %mul3A_261 = arith.mulf %squeeze3A_258, %mul3A_260 : vector<512x256xbf16>
    %slice3A_262 = vector.extract_strided_slice %reshape3A_247 {offsets = [3, 0, 0], sizes = [1, 512, 256], strides = [1, 1, 1]} : vector<20x512x256xbf16> to vector<1x512x256xbf16>
    %squeeze3A_263 = vector.shape_cast %slice3A_262 : vector<1x512x256xbf16> to vector<512x256xbf16>
    %slice3A_264 = vector.extract_strided_slice %convert_element_type3A {offsets = [0, 12], sizes = [512, 1], strides = [1, 1]} : vector<512x20xbf16> to vector<512x1xbf16>
    %mul3A_265 = vector.broadcast %slice3A_264 : vector<512x1xbf16> to vector<512x256xbf16>
    %mul3A_266 = arith.mulf %squeeze3A_263, %mul3A_265 : vector<512x256xbf16>
    %slice3A_267 = vector.extract_strided_slice %reshape3A_247 {offsets = [4, 0, 0], sizes = [1, 512, 256], strides = [1, 1, 1]} : vector<20x512x256xbf16> to vector<1x512x256xbf16>
    %squeeze3A_268 = vector.shape_cast %slice3A_267 : vector<1x512x256xbf16> to vector<512x256xbf16>
    %slice3A_269 = vector.extract_strided_slice %convert_element_type3A {offsets = [0, 16], sizes = [512, 1], strides = [1, 1]} : vector<512x20xbf16> to vector<512x1xbf16>
    %mul3A_270 = vector.broadcast %slice3A_269 : vector<512x1xbf16> to vector<512x256xbf16>
    %mul3A_271 = arith.mulf %squeeze3A_268, %mul3A_270 : vector<512x256xbf16>
    %slice3A_272 = vector.extract_strided_slice %reshape3A_247 {offsets = [5, 0, 0], sizes = [1, 512, 256], strides = [1, 1, 1]} : vector<20x512x256xbf16> to vector<1x512x256xbf16>
    %squeeze3A_273 = vector.shape_cast %slice3A_272 : vector<1x512x256xbf16> to vector<512x256xbf16>
    %slice3A_274 = vector.extract_strided_slice %convert_element_type3A {offsets = [0, 1], sizes = [512, 1], strides = [1, 1]} : vector<512x20xbf16> to vector<512x1xbf16>
    %mul3A_275 = vector.broadcast %slice3A_274 : vector<512x1xbf16> to vector<512x256xbf16>
    %mul3A_276 = arith.mulf %squeeze3A_273, %mul3A_275 : vector<512x256xbf16>
    %slice3A_277 = vector.extract_strided_slice %reshape3A_247 {offsets = [6, 0, 0], sizes = [1, 512, 256], strides = [1, 1, 1]} : vector<20x512x256xbf16> to vector<1x512x256xbf16>
    %squeeze3A_278 = vector.shape_cast %slice3A_277 : vector<1x512x256xbf16> to vector<512x256xbf16>
    %slice3A_279 = vector.extract_strided_slice %convert_element_type3A {offsets = [0, 5], sizes = [512, 1], strides = [1, 1]} : vector<512x20xbf16> to vector<512x1xbf16>
    %mul3A_280 = vector.broadcast %slice3A_279 : vector<512x1xbf16> to vector<512x256xbf16>
    %mul3A_281 = arith.mulf %squeeze3A_278, %mul3A_280 : vector<512x256xbf16>
    %slice3A_282 = vector.extract_strided_slice %reshape3A_247 {offsets = [7, 0, 0], sizes = [1, 512, 256], strides = [1, 1, 1]} : vector<20x512x256xbf16> to vector<1x512x256xbf16>
    %squeeze3A_283 = vector.shape_cast %slice3A_282 : vector<1x512x256xbf16> to vector<512x256xbf16>
    %slice3A_284 = vector.extract_strided_slice %convert_element_type3A {offsets = [0, 9], sizes = [512, 1], strides = [1, 1]} : vector<512x20xbf16> to vector<512x1xbf16>
    %mul3A_285 = vector.broadcast %slice3A_284 : vector<512x1xbf16> to vector<512x256xbf16>
    %mul3A_286 = arith.mulf %squeeze3A_283, %mul3A_285 : vector<512x256xbf16>
    %slice3A_287 = vector.extract_strided_slice %reshape3A_247 {offsets = [8, 0, 0], sizes = [1, 512, 256], strides = [1, 1, 1]} : vector<20x512x256xbf16> to vector<1x512x256xbf16>
    %squeeze3A_288 = vector.shape_cast %slice3A_287 : vector<1x512x256xbf16> to vector<512x256xbf16>
    %slice3A_289 = vector.extract_strided_slice %convert_element_type3A {offsets = [0, 13], sizes = [512, 1], strides = [1, 1]} : vector<512x20xbf16> to vector<512x1xbf16>
    %mul3A_290 = vector.broadcast %slice3A_289 : vector<512x1xbf16> to vector<512x256xbf16>
    %mul3A_291 = arith.mulf %squeeze3A_288, %mul3A_290 : vector<512x256xbf16>
    %slice3A_292 = vector.extract_strided_slice %reshape3A_247 {offsets = [9, 0, 0], sizes = [1, 512, 256], strides = [1, 1, 1]} : vector<20x512x256xbf16> to vector<1x512x256xbf16>
    %squeeze3A_293 = vector.shape_cast %slice3A_292 : vector<1x512x256xbf16> to vector<512x256xbf16>
    %slice3A_294 = vector.extract_strided_slice %convert_element_type3A {offsets = [0, 17], sizes = [512, 1], strides = [1, 1]} : vector<512x20xbf16> to vector<512x1xbf16>
    %mul3A_295 = vector.broadcast %slice3A_294 : vector<512x1xbf16> to vector<512x256xbf16>
    %mul3A_296 = arith.mulf %squeeze3A_293, %mul3A_295 : vector<512x256xbf16>
    %slice3A_297 = vector.extract_strided_slice %reshape3A_247 {offsets = [10, 0, 0], sizes = [1, 512, 256], strides = [1, 1, 1]} : vector<20x512x256xbf16> to vector<1x512x256xbf16>
    %squeeze3A_298 = vector.shape_cast %slice3A_297 : vector<1x512x256xbf16> to vector<512x256xbf16>
    %slice3A_299 = vector.extract_strided_slice %convert_element_type3A {offsets = [0, 2], sizes = [512, 1], strides = [1, 1]} : vector<512x20xbf16> to vector<512x1xbf16>
    %mul3A_300 = vector.broadcast %slice3A_299 : vector<512x1xbf16> to vector<512x256xbf16>
    %mul3A_301 = arith.mulf %squeeze3A_298, %mul3A_300 : vector<512x256xbf16>
    %slice3A_302 = vector.extract_strided_slice %reshape3A_247 {offsets = [11, 0, 0], sizes = [1, 512, 256], strides = [1, 1, 1]} : vector<20x512x256xbf16> to vector<1x512x256xbf16>
    %squeeze3A_303 = vector.shape_cast %slice3A_302 : vector<1x512x256xbf16> to vector<512x256xbf16>
    %slice3A_304 = vector.extract_strided_slice %convert_element_type3A {offsets = [0, 6], sizes = [512, 1], strides = [1, 1]} : vector<512x20xbf16> to vector<512x1xbf16>
    %mul3A_305 = vector.broadcast %slice3A_304 : vector<512x1xbf16> to vector<512x256xbf16>
    %mul3A_306 = arith.mulf %squeeze3A_303, %mul3A_305 : vector<512x256xbf16>
    %slice3A_307 = vector.extract_strided_slice %reshape3A_247 {offsets = [12, 0, 0], sizes = [1, 512, 256], strides = [1, 1, 1]} : vector<20x512x256xbf16> to vector<1x512x256xbf16>
    %squeeze3A_308 = vector.shape_cast %slice3A_307 : vector<1x512x256xbf16> to vector<512x256xbf16>
    %slice3A_309 = vector.extract_strided_slice %convert_element_type3A {offsets = [0, 10], sizes = [512, 1], strides = [1, 1]} : vector<512x20xbf16> to vector<512x1xbf16>
    %mul3A_310 = vector.broadcast %slice3A_309 : vector<512x1xbf16> to vector<512x256xbf16>
    %mul3A_311 = arith.mulf %squeeze3A_308, %mul3A_310 : vector<512x256xbf16>
    %slice3A_312 = vector.extract_strided_slice %reshape3A_247 {offsets = [13, 0, 0], sizes = [1, 512, 256], strides = [1, 1, 1]} : vector<20x512x256xbf16> to vector<1x512x256xbf16>
    %squeeze3A_313 = vector.shape_cast %slice3A_312 : vector<1x512x256xbf16> to vector<512x256xbf16>
    %slice3A_314 = vector.extract_strided_slice %convert_element_type3A {offsets = [0, 14], sizes = [512, 1], strides = [1, 1]} : vector<512x20xbf16> to vector<512x1xbf16>
    %mul3A_315 = vector.broadcast %slice3A_314 : vector<512x1xbf16> to vector<512x256xbf16>
    %mul3A_316 = arith.mulf %squeeze3A_313, %mul3A_315 : vector<512x256xbf16>
    %slice3A_317 = vector.extract_strided_slice %reshape3A_247 {offsets = [14, 0, 0], sizes = [1, 512, 256], strides = [1, 1, 1]} : vector<20x512x256xbf16> to vector<1x512x256xbf16>
    %squeeze3A_318 = vector.shape_cast %slice3A_317 : vector<1x512x256xbf16> to vector<512x256xbf16>
    %slice3A_319 = vector.extract_strided_slice %convert_element_type3A {offsets = [0, 18], sizes = [512, 1], strides = [1, 1]} : vector<512x20xbf16> to vector<512x1xbf16>
    %mul3A_320 = vector.broadcast %slice3A_319 : vector<512x1xbf16> to vector<512x256xbf16>
    %mul3A_321 = arith.mulf %squeeze3A_318, %mul3A_320 : vector<512x256xbf16>
    %slice3A_322 = vector.extract_strided_slice %reshape3A_247 {offsets = [15, 0, 0], sizes = [1, 512, 256], strides = [1, 1, 1]} : vector<20x512x256xbf16> to vector<1x512x256xbf16>
    %squeeze3A_323 = vector.shape_cast %slice3A_322 : vector<1x512x256xbf16> to vector<512x256xbf16>
    %slice3A_324 = vector.extract_strided_slice %convert_element_type3A {offsets = [0, 3], sizes = [512, 1], strides = [1, 1]} : vector<512x20xbf16> to vector<512x1xbf16>
    %mul3A_325 = vector.broadcast %slice3A_324 : vector<512x1xbf16> to vector<512x256xbf16>
    %mul3A_326 = arith.mulf %squeeze3A_323, %mul3A_325 : vector<512x256xbf16>
    %slice3A_327 = vector.extract_strided_slice %reshape3A_247 {offsets = [16, 0, 0], sizes = [1, 512, 256], strides = [1, 1, 1]} : vector<20x512x256xbf16> to vector<1x512x256xbf16>
    %squeeze3A_328 = vector.shape_cast %slice3A_327 : vector<1x512x256xbf16> to vector<512x256xbf16>
    %slice3A_329 = vector.extract_strided_slice %convert_element_type3A {offsets = [0, 7], sizes = [512, 1], strides = [1, 1]} : vector<512x20xbf16> to vector<512x1xbf16>
    %mul3A_330 = vector.broadcast %slice3A_329 : vector<512x1xbf16> to vector<512x256xbf16>
    %mul3A_331 = arith.mulf %squeeze3A_328, %mul3A_330 : vector<512x256xbf16>
    %slice3A_332 = vector.extract_strided_slice %reshape3A_247 {offsets = [17, 0, 0], sizes = [1, 512, 256], strides = [1, 1, 1]} : vector<20x512x256xbf16> to vector<1x512x256xbf16>
    %squeeze3A_333 = vector.shape_cast %slice3A_332 : vector<1x512x256xbf16> to vector<512x256xbf16>
    %slice3A_334 = vector.extract_strided_slice %convert_element_type3A {offsets = [0, 11], sizes = [512, 1], strides = [1, 1]} : vector<512x20xbf16> to vector<512x1xbf16>
    %mul3A_335 = vector.broadcast %slice3A_334 : vector<512x1xbf16> to vector<512x256xbf16>
    %mul3A_336 = arith.mulf %squeeze3A_333, %mul3A_335 : vector<512x256xbf16>
    %slice3A_337 = vector.extract_strided_slice %reshape3A_247 {offsets = [18, 0, 0], sizes = [1, 512, 256], strides = [1, 1, 1]} : vector<20x512x256xbf16> to vector<1x512x256xbf16>
    %squeeze3A_338 = vector.shape_cast %slice3A_337 : vector<1x512x256xbf16> to vector<512x256xbf16>
    %slice3A_339 = vector.extract_strided_slice %convert_element_type3A {offsets = [0, 15], sizes = [512, 1], strides = [1, 1]} : vector<512x20xbf16> to vector<512x1xbf16>
    %mul3A_340 = vector.broadcast %slice3A_339 : vector<512x1xbf16> to vector<512x256xbf16>
    %mul3A_341 = arith.mulf %squeeze3A_338, %mul3A_340 : vector<512x256xbf16>
    %slice3A_342 = vector.extract_strided_slice %reshape3A_247 {offsets = [19, 0, 0], sizes = [1, 512, 256], strides = [1, 1, 1]} : vector<20x512x256xbf16> to vector<1x512x256xbf16>
    %squeeze3A_343 = vector.shape_cast %slice3A_342 : vector<1x512x256xbf16> to vector<512x256xbf16>
    %slice3A_344 = vector.extract_strided_slice %convert_element_type3A {offsets = [0, 19], sizes = [512, 1], strides = [1, 1]} : vector<512x20xbf16> to vector<512x1xbf16>
    %mul3A_345 = vector.broadcast %slice3A_344 : vector<512x1xbf16> to vector<512x256xbf16>
    %mul3A_346 = arith.mulf %squeeze3A_343, %mul3A_345 : vector<512x256xbf16>
    %max3A_347 = arith.maximumf %mul3A_251, %mul3A_256 : vector<512x256xbf16>
    %max3A_348 = arith.maximumf %mul3A_261, %mul3A_266 : vector<512x256xbf16>
    %max3A_349 = arith.maximumf %mul3A_271, %mul3A_276 : vector<512x256xbf16>
    %max3A_350 = arith.maximumf %mul3A_281, %mul3A_286 : vector<512x256xbf16>
    %max3A_351 = arith.maximumf %mul3A_291, %mul3A_296 : vector<512x256xbf16>
    %max3A_352 = arith.maximumf %mul3A_301, %mul3A_306 : vector<512x256xbf16>
    %max3A_353 = arith.maximumf %mul3A_311, %mul3A_316 : vector<512x256xbf16>
    %max3A_354 = arith.maximumf %mul3A_321, %mul3A_326 : vector<512x256xbf16>
    %max3A_355 = arith.maximumf %mul3A_331, %mul3A_336 : vector<512x256xbf16>
    %max3A_356 = arith.maximumf %mul3A_341, %mul3A_346 : vector<512x256xbf16>
    %max3A_357 = arith.maximumf %max3A_347, %max3A_348 : vector<512x256xbf16>
    %max3A_358 = arith.maximumf %max3A_349, %max3A_350 : vector<512x256xbf16>
    %max3A_359 = arith.maximumf %max3A_351, %max3A_352 : vector<512x256xbf16>
    %max3A_360 = arith.maximumf %max3A_353, %max3A_354 : vector<512x256xbf16>
    %max3A_361 = arith.maximumf %max3A_355, %max3A_356 : vector<512x256xbf16>
    %max3A_362 = arith.maximumf %max3A_357, %max3A_358 : vector<512x256xbf16>
    %max3A_363 = arith.maximumf %max3A_359, %max3A_360 : vector<512x256xbf16>
    %max3A_364 = arith.maximumf %max3A_362, %max3A_363 : vector<512x256xbf16>
    %max3A_365 = arith.maximumf %max3A_364, %max3A_361 : vector<512x256xbf16>
    %convert_element_type3A_366 = arith.extf %max3A_365 : vector<512x256xbf16> to vector<512x256xf32>
    %get3A_367 = arith.constant 0 : index
    %get3A_368 = arith.constant 0 : index
    %get3A_369 = vector.load %arg10[%get3A_367, %get3A_368] : memref<256x256xf32, #tpu.memory_space<vmem>>, vector<256x256xf32>
    %dot_general3A_370 = arith.constant dense<0.000000e+00> : vector<512x256xf32>
    %dot_general3A_371 = tpu.matmul %convert_element_type3A_366, %get3A_369, %dot_general3A_370 {dimension_numbers = #tpu.dot_dimension_numbers<[1], [0], [0], [1], [0, 0, 1, 1], [], []>, transpose_lhs_hint = false} : vector<512x256xf32>, vector<256x256xf32>, vector<512x256xf32> -> vector<512x256xf32>
    %get3A_372 = arith.constant 0 : index
    %get3A_373 = arith.constant 0 : index
    %get3A_374 = vector.load %arg11[%get3A_372, %get3A_373] : memref<1x256xf32, #tpu.memory_space<vmem>>, vector<1x256xf32>
    %add3A_375 = vector.broadcast %get3A_374 : vector<1x256xf32> to vector<512x256xf32>
    %add3A_376 = arith.addf %dot_general3A_371, %add3A_375 : vector<512x256xf32>
    %max3A_377 = arith.constant 0.000000e+00 : f32
    %max3A_378 = vector.broadcast %max3A_377 : f32 to vector<512x256xf32>
    %max3A_379 = arith.maximumf %add3A_376, %max3A_378 : vector<512x256xf32>
    %get3A_380 = arith.constant 0 : index
    %get3A_381 = arith.constant 0 : index
    %get3A_382 = vector.load %arg12[%get3A_380, %get3A_381] : memref<256x256xf32, #tpu.memory_space<vmem>>, vector<256x256xf32>
    %dot_general3A_383 = arith.constant dense<0.000000e+00> : vector<512x256xf32>
    %dot_general3A_384 = tpu.matmul %max3A_379, %get3A_382, %dot_general3A_383 {dimension_numbers = #tpu.dot_dimension_numbers<[1], [0], [0], [1], [0, 0, 1, 1], [], []>, transpose_lhs_hint = false} : vector<512x256xf32>, vector<256x256xf32>, vector<512x256xf32> -> vector<512x256xf32>
    %get3A_385 = arith.constant 0 : index
    %get3A_386 = arith.constant 0 : index
    %get3A_387 = vector.load %arg13[%get3A_385, %get3A_386] : memref<1x256xf32, #tpu.memory_space<vmem>>, vector<1x256xf32>
    %add3A_388 = vector.broadcast %get3A_387 : vector<1x256xf32> to vector<512x256xf32>
    %add3A_389 = arith.addf %dot_general3A_384, %add3A_388 : vector<512x256xf32>
    %get3A_390 = arith.constant 0 : index
    %get3A_391 = arith.constant 0 : index
    %get3A_392 = vector.load %arg2[%get3A_390, %get3A_391] : memref<512x20xf32, #tpu.memory_space<vmem>>, vector<512x20xf32>
    %reduce_max3A = arith.constant dense<0xFF800000> : vector<512xf32>
    %reduce_max3A_393 = vector.multi_reduction <maximumf>, %get3A_392, %reduce_max3A [1] : vector<512x20xf32> to vector<512xf32>
    %broadcast_in_dim3A_394 = vector.shape_cast %reduce_max3A_393 : vector<512xf32> to vector<512x1xf32>
    %mul3A_395 = vector.broadcast %broadcast_in_dim3A_394 : vector<512x1xf32> to vector<512x256xf32>
    %mul3A_396 = arith.mulf %add3A_389, %mul3A_395 : vector<512x256xf32>
    %swap3A_397 = arith.constant 0 : index
    %swap3A_398 = arith.constant 0 : index
    %swap3A_399 = vector.load %arg14[%swap3A_397, %swap3A_398] : memref<512x256xf32, #tpu.memory_space<vmem>>, vector<512x256xf32>
    tpu.vector_store %arg14[%swap3A_397, %swap3A_398], %mul3A_396 {strides = array<i32>} : memref<512x256xf32, #tpu.memory_space<vmem>>, vector<512x256xf32>,
    return
  }
  func.func @transform_0(%arg0: i32) -> (i32, i32, i32) {
    %c0_i32 = arith.constant 0 : i32
    %c0_i32_0 = arith.constant 0 : i32
    %c0_i32_1 = arith.constant 0 : i32
    return %c0_i32, %arg0, %c0_i32_0 : i32, i32, i32
  }
  func.func @transform_1(%arg0: i32) -> (i32, i32) {
    %c0_i32 = arith.constant 0 : i32
    %c0_i32_0 = arith.constant 0 : i32
    return %arg0, %c0_i32 : i32, i32
  }
  func.func @transform_2(%arg0: i32) -> (i32, i32) {
    %c0_i32 = arith.constant 0 : i32
    %c0_i32_0 = arith.constant 0 : i32
    %c0_i32_1 = arith.constant 0 : i32
    return %c0_i32, %c0_i32_0 : i32, i32
  }
  func.func @transform_3(%arg0: i32) -> (i32, i32) {
    %c0_i32 = arith.constant 0 : i32
    %c0_i32_0 = arith.constant 0 : i32
    %c0_i32_1 = arith.constant 0 : i32
    return %c0_i32, %c0_i32_0 : i32, i32
  }
  func.func @transform_4(%arg0: i32) -> (i32, i32) {
    %c0_i32 = arith.constant 0 : i32
    %c0_i32_0 = arith.constant 0 : i32
    %c0_i32_1 = arith.constant 0 : i32
    return %c0_i32, %c0_i32_0 : i32, i32
  }
  func.func @transform_5(%arg0: i32) -> (i32, i32) {
    %c0_i32 = arith.constant 0 : i32
    %c0_i32_0 = arith.constant 0 : i32
    %c0_i32_1 = arith.constant 0 : i32
    return %c0_i32, %c0_i32_0 : i32, i32
  }
  func.func @transform_6(%arg0: i32) -> (i32, i32) {
    %c0_i32 = arith.constant 0 : i32
    %c0_i32_0 = arith.constant 0 : i32
    %c0_i32_1 = arith.constant 0 : i32
    return %c0_i32, %c0_i32_0 : i32, i32
  }
  func.func @transform_7(%arg0: i32) -> (i32, i32) {
    %c0_i32 = arith.constant 0 : i32
    %c0_i32_0 = arith.constant 0 : i32
    %c0_i32_1 = arith.constant 0 : i32
    return %c0_i32, %c0_i32_0 : i32, i32
  }
  func.func @transform_8(%arg0: i32) -> (i32, i32) {
    %c0_i32 = arith.constant 0 : i32
    %c0_i32_0 = arith.constant 0 : i32
    %c0_i32_1 = arith.constant 0 : i32
    return %c0_i32, %c0_i32_0 : i32, i32
  }
  func.func @transform_9(%arg0: i32) -> (i32, i32) {
    %c0_i32 = arith.constant 0 : i32
    %c0_i32_0 = arith.constant 0 : i32
    %c0_i32_1 = arith.constant 0 : i32
    return %c0_i32, %c0_i32_0 : i32, i32
  }
  func.func @transform_10(%arg0: i32) -> (i32, i32) {
    %c0_i32 = arith.constant 0 : i32
    %c0_i32_0 = arith.constant 0 : i32
    %c0_i32_1 = arith.constant 0 : i32
    return %c0_i32, %c0_i32_0 : i32, i32
  }
  func.func @transform_11(%arg0: i32) -> (i32, i32) {
    %c0_i32 = arith.constant 0 : i32
    %c0_i32_0 = arith.constant 0 : i32
    %c0_i32_1 = arith.constant 0 : i32
    return %c0_i32, %c0_i32_0 : i32, i32
  }
  func.func @transform_12(%arg0: i32) -> (i32, i32) {
    %c0_i32 = arith.constant 0 : i32
    %c0_i32_0 = arith.constant 0 : i32
    %c0_i32_1 = arith.constant 0 : i32
    return %c0_i32, %c0_i32_0 : i32, i32
  }
  func.func @transform_13(%arg0: i32) -> (i32, i32) {
    %c0_i32 = arith.constant 0 : i32
    %c0_i32_0 = arith.constant 0 : i32
    return %arg0, %c0_i32 : i32, i32
  }
}

</mosaic_0001>

<sc_bundles>
// kernel: sparse-core-data-format-call.cloned.1.call-start
scs
called_computation_lowered:
.L_overlay_start_0:
0x0: {  	s2 =	sld [smem:$0x3FD9]  }
0x1: {  	s3 =	sld [smem:$0x3FFE];
	_ =	sdelay $0x1  }
0x2: {  	s1 =	srdreg.scid  }
0x3: {  	s0 =	sand.u32 $0x1, s1  }
0x4: {  	s18 =	sshll.u32 s0, $0xA;
	s2 =	sadd.s32 s3, s2  }
0x5: {  	s2 =	sadd.s32 s2, s18  }
0x6: {  	[smem:$0x3FB9] =	sst s2  }
0x7: {  	_ = 	snop  }
0x8: {  	s2 =	sld [smem:$0x3FC9];
	(tm) =	ssettm $0x1  }
0x9: {  	s19 =	sld [smem:$0x3FFB];
	_ =	sdelay $0x3  }
0xa: {  	_ =	strace s19  }
0xb: {  	s3 =	sld [smem:$0x3FFC];
	_ =	sdelay $0x3  }
0xc: {  	_ =	strace s3  }
0xd: {  	s3 =	sld [smem:$0x3FFD];
	_ =	sdelay $0x3  }
0xe: {  	_ =	strace s3  }
0xf: {  	_ =	strace $0x8FFFFFFF  }
0x10: {  	s20 =	sld [smem:$0x3FDB];
	_ =	sdelay $0x1  }
0x11: {  	s4 =	simm.s32 $_scs_section_size  }
0x12: {  	s5 =	simm.s32 $_size__tile_overlayer_lowered;
	s6 =	simm.s32 $_tile_overlayer_lowered  }
0x13: {  	s23 =	simm.s32 $0x1BFF;
	s22 =	sshll.u32 s6, $0x1;
	s3 =	sadd.s32 s4, s20  }
0x14: {  	s7 =	simm.s32 $0x0;
	s21 =	sshll.u32 s5, $0x1;
	s5 =	sadd.s32 s22, s3  }
0x15: {  	[timem:s7], [sflag:s23] =	dma.local [hbm:s5], s21  }
0x16: {  	_ =	swait.ge [sflag:s23], s21  }
0x17: {  	s4 =	ssub.s32 $0x0, s21;
	[sflag:s23] =	ssyncset.done $0x0  }
0x18: {  	[sflag:s23] =	ssyncadd.s32 s4;
	_ =	sdelay $0x1  }
0x19: {  	s24 =	simm.s32 $0x1B8B  }
0x1a: {  	_ =	swait.ge [sflag:s24], $0x1  }
0x1b: {  	[sflag:s24] =	ssyncset.done $0x0  }
0x1c: {  	s26 =	simm.s32 $0x1B8E;
	s25 =	sld [smem:$0x3FFE];
	[sflag:s24] =	ssyncadd.s32 $0xFFFFFFFF  }
0x1d: {  	s27 =	simm.s32 $execute0_lowered;
	[smem:$0x3FD2] =	sst s26  }
0x1e: {  	s5 =	sshll.u32 s27, $0x1;
	_ =	strace $0x80000046;
	[dreg:$0x1] =	wrdreg $0xFFFFFFFF  }
0x1f: {  	s28 =	simm.s32 $_size_execute0_lowered;
	s3 =	sadd.s32 s3, s5;
	[dreg:$0x0] =	wrdreg $0x0  }
0x20: {  	s5 =	sshll.u32 s28, $0x1;
	[dreg:$0x2] =	wrdreg s3  }
0x21: {  	[dreg:$0x3] =	wrdreg s5  }
0x22: {  	[dreg:$0x4] =	wrdreg $0xC0  }
0x23: {  	_ =	task [dreg:s7], $0x5FFFF  }
0x24: {  	[dreg:$0x1] =	wrdreg $0xFFFFFFFF  }
0x25: {  	[dreg:$0x0] =	wrdreg $0x60  }
0x26: {  	[dreg:$0x2] =	wrdreg s2  }
0x27: {  	[dreg:$0x3] =	wrdreg s25  }
0x28: {  	[dreg:$0x4] =	wrdreg $0x9  }
0x29: {  	_ =	task.clear_ibuf [dreg:s7], $0x5FFFF;
	_ =	strace $0x90000046  }
0x2a: {  	s29 =	simm.s32 $0x9;
	_ =	strace $0x80000048  }
0x2b: {  	_ =	swait.ge [sflag:s29], $0x1  }
0x2c: {  	[sflag:s29] =	ssyncadd.s32 $0xFFFFFFFF  }
0x2d: {  	_ =	strace $0x90000048  }
0x2e: {  	_ =	sfence  }
0x2f: {  	s30 =	sld [smem:$0x0];
	_ =	sdelay $0x2  }
0x30: {  	s31 =	sshll.u32 s1, $0xD;
	s1 =	sshrl.u32 s1, $0x2  }
0x31: {  	s3 =	sand.u32 $0x4000, s31;
	s1 =	sadd.s32 s1, s30  }
0x32: {  	s0 =	sor.u32 s3, s0;
	s1 =	sshll.u32 s1, $0x11  }
0x33: {  	s0 =	sor.u32 s1, s0  }
0x34: {  	s0 =	sadd.s32 $0x8F2B, s0  }
0x35: {  	[sflag:s0] =	ssyncadd.remote.s32 $0x1  }
0x36: {  	_ =	sfence.sel $0xFFFF  }
0x37: {  	[dreg:$0x0] =	wrdreg $0xFFFFFFFF;
	(pc) =	sbr.abs _section_cstart, $3  }
0x38: {  	[dreg:$0x1] =	wrdreg $0xFFFFFFFF  }
0x39: {  	_ =	task.clear_ibuf [dreg:s7], $0x2FFFF;
	_ =	strace $0x9FFFFFFF  }
0x3a: {  	(tm) =	ssettm $0x7FFFFFFF  }
0x3b: {  	_ =	shalt  }
tec
execute0_lowered:
.L_overlay_start_1:
0x0: {  	(tag) =	ssettag $0x1  }
0x1: {  	s0 =	srdreg.scid  }
0x2: {  	s1 =	sshll.u32 s0, $0x4  }
0x3: {  	s0 =	stileid.u32;
	s1 =	sand.u32 $0x10, s1  }
0x4: {  	s3 =	rddreg [dreg:$0x0];
	s1 =	sor.u32 s0, s1  }
0x5: {  	s6 =	rddreg [dreg:$0x1];
	s7 =	simm.s32 $0x2;
	s2 =	sshll.u32 s1, $0x7  }
0x6: {  	s14 =	simm.s32 $0x0;
	s12 =	simm.s32 $0x0;
	s1 =	ssub.s32 $0x4000, s2  }
0x7: {  	s13 =	simm.s32 $0x0;
	s9 =	simm.s32 $0x0;
	s4 =	sand.u32 $0xF80, s1  }
0x8: {  	s10 =	simm.s32 $0x0;
	p0 =	sne.s32 s4, $0x0;
	s4 =	simm.s32 $0x1  }
.Ltmp0:
0x9: {  	s5 =	sshrl.u32 s1, $0xC;
	s4 =	simm.s32 @!p0 $0x0;
	(pc) =	sbr.rel .LBB1_1-.Ltmp0, $4  }
0xa: {  	s11 =	simm.s32 $0x0;
	s1 =	rddreg [dreg:$0x2];
	s5 =	sadd.s32 s4, s5  }
0xb: {  	_ =	strace $0x80000047;
	s4 =	simm.s32 $0x1;
	s5 =	smul.u32 $0x5, s5  }
0xc: {  	s6 =	sadd.s32 $0x2200, s6;
	s8 =	smov.u32 s2;
	[sflag:s4] =	ssyncpa.u1 $0x0  }
0xd: {  	p0 =	por $0x0, $0x0;
	[sflag:s7] =	ssyncpa.u1 $0x0;
	s7 =	sadd.s32 $0x1, s5  }
.LBB1_4:
0xe: {  	v5 =	vld [tilespmem:s18+$0xFFFFFFD0];
	[tilespmem:s17+$0x2040 ss:$0x81] =	vst.msk $0xffff, v1  }
0xf: {  	v58 =	vld [tilespmem:s18+$0xFFFFFFE0];
	[tilespmem:s17+$0x2850 ss:$0x81] =	vst.msk $0xffff, v2  }
0x10: {  	s19 =	sshra.s32 s19, $0x2;
	v59 =	vld [tilespmem:s18+$0xFFFFFFF0];
	[tilespmem:s17+$0x3060 ss:$0x81] =	vst.msk $0xffff, v3  }
0x11: {  	v60 =	vld [tilespmem:s18+$0x0];
	[tilespmem:s17+$0x0 ss:$0x81] =	vst.msk $0xffff, v0;
	s16 =	sadd.s32 s19, s16  }
0x12: {  	v61 =	vld [tilespmem:s18+$0x10];
	[tilespmem:s16+$0x3870 ss:$0x81] =	vst.msk $0xffff, v4  }
0x13: {  	v62 =	vld [tilespmem:s18+$0x20];
	s14 =	sshll.u32 s14, $0x7;
	s28 =	sshll.u32 s12, $0x3;
	[tilespmem:s16+$0x810 ss:$0x81] =	vst.msk $0xffff, v5  }
0x14: {  	v63 =	vld [tilespmem:s18+$0xFFFFFFC0];
	s29 =	sand.u32 $0x1FFC00, s14;
	s17 =	sand.u32 $0x1FFC00, s28;
	[tilespmem:s16+$0x1020 ss:$0x81] =	vst.msk $0xffff, v58  }
0x15: {  	s14 =	sand.u32 $0x380, s14;
	s17 =	sadd.s32 s17, s29;
	[tilespmem:s16+$0x1830 ss:$0x81] =	vst.msk $0xffff, v59  }
0x16: {  	s13 =	sshll.u32 s13, $0x12;
	s30 =	sshrl.u32 s12, $0x3;
	s14 =	sor.u32 s14, s17;
	[tilespmem:s16+$0x2040 ss:$0x81] =	vst.msk $0xffff, v60  }
0x17: {  	s13 =	sadd.s32 s6, s13;
	s17 =	sand.u32 $0xF, s30;
	s14 =	sshrl.u32 s14, $0x3;
	[tilespmem:s16+$0x2850 ss:$0x81] =	vst.msk $0xffff, v61  }
0x18: {  	s13 =	sadd.s32 s17, s13;
	[tilespmem:s16+$0x3060 ss:$0x81] =	vst.msk $0xffff, v62;
	s14 =	sand.u32 $0x3FFF0, s14  }
0x19: {  	s31 =	sand.u32 $0x7, s12;
	[tilespmem:s16+$0x0 ss:$0x81] =	vst.msk $0xffff, v63;
	s13 =	sadd.s32 s14, s13  }
0x1a: {  	[hbm4b:s13+s31] =	stream.linear.scatter [tilespmem:s15], [sflag:$0x2], $0x4000, $0x20;
	[tilespmem:$0x10100] =	vst v63  }
.LBB1_5:
0x1b: {  	s15 =	sadd.s32 $0x1000, s8  }
0x1c: {  	s12 =	sadd.s32 $0x80, s9;
	s16 =	smov.u32 s9;
	p2 =	sgt.s32 s15, $0x3FFF  }
0x1d: {  	s16 =	smov.u32 @p2 s12  }
0x1e: {  	s12 =	simm.s32 $0x1;
	p3 =	sgt.s32 s16, $0x7F  }
0x1f: {  	s12 =	simm.s32 @!p3 $0x0  }
0x20: {  	s18 =	sadd.s32 s12, s10  }
0x21: {  	s15 =	smov.u32 @p2 s2;
	p2 =	sgt.s32 s18, $0x4  }
0x22: {  	p1 =	slt.u32 s11, $0x2;
	s18 =	simm.s32 @p2 $0x0;
	p2 =	sne.s32 s11, s7  }
.Ltmp1:
0x23: {  	s17 =	simm.s32 @!p1 $0x2;
	(pc) =	sbr.rel @!p2 .LBB1_6-.Ltmp1, $4  }
0x24: {  	s14 =	smov.u32 s8;
	s13 =	smov.u32 s10;
	_ =	swait.ge @!p1 [sflag:s17], $0x4000  }
0x25: {  	p0 =	por !p0, !p0;
	[sflag:s17] =	ssyncset.done @!p1 $0x0;
	s8 =	smov.u32 s15  }
0x26: {  	s16 =	simm.s32 @p3 $0x0;
	[sflag:s17] =	ssyncadd.s32 @!p1 $0xFFFFC000;
	s12 =	smov.u32 s9  }
0x27: {  	s9 =	smov.u32 s16;
	s11 =	sadd.s32 $0x1, s11;
	s10 =	smov.u32 s18  }
.LBB1_1:
0x28: {  	p1 =	sge.u32 s11, s5;
	s31 =	sadd.s32 $0xFFFFFFFF, s11  }
0x29: {  	s15 =	sxor.u32 @!p1 $0xFFFFFFFF, s11;
	s16 =	sand.u32 @!p1 $0x78, s8;
	s17 =	sshll.u32 @!p1 s9, $0xE  }
0x2a: {  	s18 =	sshll.u32 @!p1 s9, $0x7;
	s19 =	sshll.u32 @!p1 s8, $0x3;
	s15 =	sshll.u32 @!p1 s15, $0xE  }
0x2b: {  	s17 =	sand.u32 @!p1 $0x1E0000, s17;
	s18 =	sand.u32 @!p1 $0x380, s18;
	s15 =	sand.u32 @!p1 $0x4000, s15  }
0x2c: {  	s17 =	sadd.s32 @!p1 s17, s19;
	s19 =	sand.u32 @!p1 $0x3C00, s19;
	s16 =	sor.u32 @!p1 s18, s16  }
0x2d: {  	s18 =	sshll.u32 @!p1 s10, $0x12;
	s16 =	sor.u32 @!p1 s19, s16;
	s17 =	sshrl.u32 @!p1 s17, $0x3  }
0x2e: {  	s18 =	sadd.s32 @!p1 s3, s18;
	s19 =	sand.u32 @!p1 $0x7, s8;
	s17 =	sand.u32 @!p1 $0x3F800, s17  }
0x2f: {  	s16 =	sshrl.u32 @!p1 s16, $0x3;
	s17 =	sadd.s32 @!p1 s17, s18;
	s18 =	sshll.u32 @!p1 s19, $0x12  }
0x30: {  	s16 =	sadd.s32 @!p1 s16, s17;
	s17 =	sor.u32 @!p1 $0x400, s18;
	s18 =	simm.s32 @!p1 $0x20000  }
0x31: {  	[tilespmem:s15], [sflag:$0x1] =	stream.strided.gather @!p1 [hbm4b:s16+s17], $0x4000, s18, s17, $0x38;
	[tilespmem:$0x10100] =	vst v63  }
0x32: {  	p1 =	sge.u32 s31, s5  }
.Ltmp2:
0x33: {  	_ = 	snop;
	(pc) =	sbr.rel @p1 .LBB1_5-.Ltmp2, $1  }
0x34: {  	_ =	sdelay $0x3  }
0x35: {  	s15 =	simm.s32 $0x1  }
0x36: {  	_ =	swait.ge [sflag:s4], $0x4000;
	s15 =	simm.s32 @!p0 $0x0  }
0x37: {  	[sflag:s4] =	ssyncset.done $0x0;
	s16 =	sshll.u32 s15, $0xE  }
0x38: {  	[sflag:s4] =	ssyncadd.s32 $0xFFFFC000;
	s18 =	sor.u32 $0x40, s16  }
0x39: {  	s15 =	smul.u32 $0x10200, s15;
	v0 =	vld [tilespmem:s18+$0x30]  }
0x3a: {  	v3 =	vld [tilespmem:s18+$0xFFFFFFD0]  }
0x3b: {  	s15 =	sshrl.u32 s15, $0x2;
	v4 =	vld [tilespmem:s18+$0xFFFFFFE0]  }
0x3c: {  	v5 =	vld [tilespmem:s18+$0xFFFFFFF0];
	s16 =	sor.u32 $0x8000, s15  }
0x3d: {  	s31 =	sand.u32 $0x1, s11;
	v1 =	vld [tilespmem:s18+$0x0];
	s17 =	sadd.s32 $0x0, s16  }
0x3e: {  	v2 =	vld [tilespmem:s18+$0x10];
	s15 =	smul.u32 $0x10200, s31;
	[tilespmem:s17+$0x3870 ss:$0x81] =	vst.msk $0xffff, v0  }
0x3f: {  	[tilespmem:s17+$0x810 ss:$0x81] =	vst.msk $0xffff, v3;
	v3 =	vld [tilespmem:s18+$0x20]  }
0x40: {  	s15 =	sshrl.u32 s15, $0x2;
	v0 =	vld [tilespmem:s18+$0xFFFFFFC0];
	[tilespmem:s17+$0x1020 ss:$0x81] =	vst.msk $0xffff, v4;
	s18 =	sadd.s32 $0x80, s18  }
0x41: {  	s19 =	simm.s32 $0x4;
	s20 =	simm.s32 $0x8;
	s15 =	sor.u32 $0x8000, s15;
	[tilespmem:s17+$0x1830 ss:$0x81] =	vst.msk $0xffff, v5;
	v4 =	vld [tilespmem:s18+$0x30]  }
.LBB1_3:
0x42: {  	p1 =	sne.s32 s20, $0x1FC;
	v5 =	vld [tilespmem:s18+$0xFFFFFFD0];
	[tilespmem:s17+$0x2040 ss:$0x81] =	vst.msk $0xffff, v1  }
0x43: {  	v6 =	vld [tilespmem:s18+$0xFFFFFFE0];
	[tilespmem:s17+$0x2850 ss:$0x81] =	vst.msk $0xffff, v2  }
0x44: {  	s21 =	sshra.s32 s19, $0x2;
	s19 =	smov.u32 s20;
	v7 =	vld [tilespmem:s18+$0xFFFFFFF0];
	[tilespmem:s17+$0x3060 ss:$0x81] =	vst.msk $0xffff, v3  }
.Ltmp3:
0x45: {  	v1 =	vld [tilespmem:s18+$0x0];
	[tilespmem:s17+$0x0 ss:$0x81] =	vst.msk $0xffff, v0;
	s17 =	sadd.s32 s21, s16;
	(pc) =	sbr.rel @p1 .LBB1_3-.Ltmp3, $4  }
0x46: {  	v2 =	vld [tilespmem:s18+$0x10];
	[tilespmem:s17+$0x3870 ss:$0x81] =	vst.msk $0xffff, v4  }
0x47: {  	[tilespmem:s17+$0x810 ss:$0x81] =	vst.msk $0xffff, v5;
	v3 =	vld [tilespmem:s18+$0x20]  }
0x48: {  	v0 =	vld [tilespmem:s18+$0xFFFFFFC0];
	[tilespmem:s17+$0x1020 ss:$0x81] =	vst.msk $0xffff, v6;
	s18 =	sadd.s32 $0x80, s18  }
0x49: {  	s20 =	sadd.s32 $0x4, s20;
	v4 =	vld [tilespmem:s18+$0x30];
	[tilespmem:s17+$0x1830 ss:$0x81] =	vst.msk $0xffff, v7  }
.Ltmp4:
0x4a: {  	_ = 	snop;
	(pc) =	sbr.rel .LBB1_4-.Ltmp4, $1  }
0x4b: {  	_ =	sdelay $0x3  }
.LBB1_6:
0x4c: {  	_ =	sfence.sel $0x180000  }
0x4d: {  	s2 =	simm.s32 $0x1;
	[bflag:$0x0] =	sbarrier.arrive $0xFFFF  }
0x4e: {  	s31 =	simm.s32 $0x2;
	[sflag:s2] =	ssyncpa.u1 $0x1  }
0x4f: {  	[sflag:s31] =	ssyncpa.u1 $0x1  }
0x50: {  	p0 =	sne.s32 s0, $0x0;
	_ =	strace $0x90000047  }
0x51: {  	s0 =	sadd.s32 @!p0 $0x100000, s1;
	[bflag:$0x2] =	sbarrier.arrive $0xFFFF  }
0x52: {  	[sflag:s0] =	ssyncadd.tile.s32 @!p0 $0x1;
	_ =	shalt  }
.Lfunc_end1:
_tile_overlayer_lowered:
.L_overlay_start_2:
0x53: {  	(tag) =	ssettag $0x2  }
0x54: {  	s0 =	rddreg [dreg:$0x0];
	s2 =	stileid.u32  }
0x55: {  	s1 =	rddreg [dreg:$0x1];
	p0 =	sne.s32 s2, $0x0  }
0x56: {  	s3 =	rddreg [dreg:$0x2];
	[bflag:$0x3] =	sbarrier.arrive $0xFFFF;
	s2 =	simm.s32 @!p0 $0x1C01  }
0x57: {  	[timem:s3], [sflag:s2] =	dma.local @!p0 [hbm:s0], s1  }
0x58: {  	s0 =	simm.s32 @!p0 $0x1  }
0x59: {  	_ =	swait.ge @!p0 [sflag:s0], s1  }
0x5a: {  	s1 =	ssub.s32 @!p0 $0x0, s1;
	[sflag:s0] =	ssyncset.done @!p0 $0x0  }
0x5b: {  	[sflag:s0] =	ssyncadd.s32 @!p0 s1  }
0x5c: {  	[bflag:$0x3] =	sbarrier.arrive $0xFFFF  }
0x5d: {  	_ =	shalt  }

</sc_bundles>
